<compile_context>
chip_gen: v7x
topology: tpu7x:2x2x1
jax: 0.10.2.dev20260603
libtpu: 0.0.44.dev20260713+nightly
codegen_flags: <defaults>
</compile_context>

<pallas_src>
import functools

import jax
import jax.numpy as jnp
from jax import lax
from jax.experimental import pallas as pl
from jax.experimental.pallas import tpu as pltpu
from jax.experimental.pallas import tpu_sc as plsc

_NUM_EXPERTS = 64
_SCALE = 20.0
_L = 16
_NBLK = _NUM_EXPERTS // _L


def _silu(x):
    return x / (1.0 + jnp.exp(-x))


def _silu_threshold(x):
    d = _SCALE * x
    return (_silu(d + 0.5 * _SCALE) - _silu(d - 0.5 * _SCALE)) / _SCALE


def _score_block(op16, k):
    e = lax.convert_element_type(lax.iota(jnp.int32, _L), jnp.float32) + float(k * _L)
    diff = op16 - e
    return _silu_threshold(diff + 0.5) * _silu_threshold(-diff + 0.5)


def _body(op_hbm, scores_hbm, idx_hbm, op_v, scores_v, idx_v, val_s, idx_s, sem):
    pltpu.sync_copy(op_hbm, op_v)
    op16 = op_v[...]
    lanes = lax.iota(jnp.int32, _L)
    best_val = _score_block(op16, 0)
    best_idx = lanes
    scores_v[pl.ds(0, _L)] = best_val
    for k in range(1, _NBLK):
        s = _score_block(op16, k)
        scores_v[pl.ds(k * _L, _L)] = s
        idx_k = lanes + (k * _L)
        upd = s > best_val
        best_val = jnp.where(upd, s, best_val)
        best_idx = jnp.where(upd, idx_k, best_idx)
    scores_dma = pltpu.async_copy(scores_v, scores_hbm, sem)
    for off in (8, 4, 2, 1):
        val_s[...] = best_val
        idx_s[...] = best_idx
        perm = lanes ^ off
        o_val = plsc.load_gather(val_s, [perm])
        o_idx = plsc.load_gather(idx_s, [perm])
        take = jnp.logical_or(
            o_val > best_val,
            jnp.logical_and(o_val == best_val, o_idx < best_idx),
        )
        best_val = jnp.where(take, o_val, best_val)
        best_idx = jnp.where(take, o_idx, best_idx)
    idx_v[...] = best_idx
    pltpu.sync_copy(idx_v, idx_hbm)
    scores_dma.wait()


@functools.cache
def _router():
    return functools.partial(
        pl.kernel,
        out_type=(
            jax.ShapeDtypeStruct((_NUM_EXPERTS,), jnp.float32),
            jax.ShapeDtypeStruct((_L,), jnp.int32),
        ),
        mesh=plsc.VectorSubcoreMesh(
            core_axis_name="c", subcore_axis_name="s", num_cores=1, num_subcores=1
        ),
        compiler_params=pltpu.CompilerParams(needs_layout_passes=False),
        scratch_types=[
            pltpu.VMEM((_L,), jnp.float32),
            pltpu.VMEM((_NUM_EXPERTS,), jnp.float32),
            pltpu.VMEM((_L,), jnp.int32),
            pltpu.VMEM((_L,), jnp.float32),
            pltpu.VMEM((_L,), jnp.int32),
            pltpu.SemaphoreType.DMA,
        ],
    )(_body)


def kernel(opcode):
    op16 = jnp.broadcast_to(opcode.astype(jnp.float32), (_L,))
    scores, idx = _router()(op16)
    return scores, idx[0]

# --- scband reference (transcript-rebuilt; emitter-appended) ---
"""Pipeline reference for scband-mo-erouter-62380105007486 (READ-ONLY COPY).

The authoritative reference and input builder live on the scoring server;
editing this copy changes nothing except your own understanding.
"""

import jax, jax.numpy as jnp
import numpy as np

NUM_EXPERTS = 64
SCALE = 20.0


def silu(x):
    return x * jax.nn.sigmoid(x)


def silu_threshold(x, scale=20.0):
    diff = scale * x
    term1 = silu(diff + 0.5 * scale)
    term2 = silu(diff - 0.5 * scale)
    return (term1 - term2) / scale


def eq_gate(a, b, scale=20.0):
    diff = (a - b).astype(jnp.float32)
    upper = silu_threshold(diff + 0.5, scale)
    lower = silu_threshold(-diff + 0.5, scale)
    return upper * lower


def setup_inputs(seed: int = 0):
    key = jax.random.key(seed)
    # opcode is a (near-)integer id in [0, NUM_EXPERTS); uniform float matches opcode.float() usage
    opcode = jax.random.uniform(key, (1,), minval=0.0, maxval=float(NUM_EXPERTS), dtype=jnp.float32)
    return {"opcode": opcode}


def reference(opcode):
    # Faithful translation of the torch loop: scores[i] = eq_gate(opcode, i)
    op_f = opcode.astype(jnp.float32)
    expert_ids = jnp.arange(NUM_EXPERTS, dtype=jnp.float32)
    scores = jax.vmap(lambda i: eq_gate(op_f, i, SCALE).reshape(()))(expert_ids)
    selected_idx = jnp.argmax(scores)
    return (scores, selected_idx)

if __name__ == "__main__":
    import jax
    _d = setup_inputs()
    print(jax.jit(kernel)(*tuple(_d.values())))

</pallas_src>

<mosaic_0001>
#map = affine_map<(d0, d1) -> (0)>
module attributes {stable_mosaic.version = 14 : i64} {
  func.func @_body(%arg0: i32, %arg1: i32, %arg2: memref<16xf32, #tpu.memory_space<hbm>>, %arg3: memref<64xf32, #tpu.memory_space<hbm>>, %arg4: memref<16xi32, #tpu.memory_space<hbm>>, %arg5: memref<16xf32, #tpu.memory_space<vmem>>, %arg6: memref<64xf32, #tpu.memory_space<vmem>>, %arg7: memref<16xi32, #tpu.memory_space<vmem>>, %arg8: memref<16xf32, #tpu.memory_space<vmem>>, %arg9: memref<16xi32, #tpu.memory_space<vmem>>, %arg10: memref<!tpu.dma_semaphore, #tpu.memory_space<semaphore_mem>>) attributes {dimension_semantics = [#tpu.dimension_semantics<core_parallel>, #tpu.dimension_semantics<subcore_parallel>], iteration_bounds = array<i64: 1, 1>, scalar_prefetch = 0 : i64, scratch_operands = 6 : i64, tpu.core_type = #tpu.core_type<sc_vector_subcore>, window_params = [{transform_indices = #map}, {transform_indices = #map}, {transform_indices = #map}]} {
    "tpu.region"() ({
      %run_scoped3A = tpu.sem_alloc : memref<!tpu.dma_semaphore, #tpu.memory_space<semaphore_mem>>
      tpu.enqueue_dma source(%arg2 : memref<16xf32, #tpu.memory_space<hbm>>) target(%arg5 : memref<16xf32, #tpu.memory_space<vmem>>) target_semaphore(%run_scoped3A : memref<!tpu.dma_semaphore, #tpu.memory_space<semaphore_mem>>)
      tpu.wait_dma2 semaphore(%run_scoped3A : memref<!tpu.dma_semaphore, #tpu.memory_space<semaphore_mem>>) src(%arg2 : memref<16xf32, #tpu.memory_space<hbm>>) dst(%arg5 : memref<16xf32, #tpu.memory_space<vmem>>)
      tpu.yield
    }) : () -> ()
    %get3A = arith.constant 0 : index
    %get3A_0 = tpu.vector_load %arg5[%get3A] {strides = array<i32>} : memref<16xf32, #tpu.memory_space<vmem>>, vector<16xf32>,
    %iota3A = tpu.iota {dimensions = array<i32: 0>} : vector<16xi32>
    %iota3A_1 = tpu.iota {dimensions = array<i32: 0>} : vector<16xi32>
    %convert_element_type3A = arith.sitofp %iota3A_1 : vector<16xi32> to vector<16xf32>
    %add3A = arith.constant 0.000000e+00 : f32
    %add3A_2 = vector.broadcast %add3A : f32 to vector<16xf32>
    %add3A_3 = arith.addf %convert_element_type3A, %add3A_2 : vector<16xf32>
    %sub3A = arith.subf %get3A_0, %add3A_3 : vector<16xf32>
    %add3A_4 = arith.constant 5.000000e-01 : f32
    %add3A_5 = vector.broadcast %add3A_4 : f32 to vector<16xf32>
    %add3A_6 = arith.addf %sub3A, %add3A_5 : vector<16xf32>
    %mul3A = arith.constant 2.000000e+01 : f32
    %mul3A_7 = vector.broadcast %mul3A : f32 to vector<16xf32>
    %mul3A_8 = arith.mulf %mul3A_7, %add3A_6 : vector<16xf32>
    %add3A_9 = arith.constant 1.000000e+01 : f32
    %add3A_10 = vector.broadcast %add3A_9 : f32 to vector<16xf32>
    %add3A_11 = arith.addf %mul3A_8, %add3A_10 : vector<16xf32>
    %neg3A = arith.constant 0.000000e+00 : f32
    %neg3A_12 = vector.broadcast %neg3A : f32 to vector<16xf32>
    %neg3A_13 = arith.subf %neg3A_12, %add3A_11 : vector<16xf32>
    %exp3A = math.exp %neg3A_13 : vector<16xf32>
    %add3A_14 = arith.constant 1.000000e+00 : f32
    %add3A_15 = vector.broadcast %add3A_14 : f32 to vector<16xf32>
    %add3A_16 = arith.addf %add3A_15, %exp3A : vector<16xf32>
    %div3A = arith.divf %add3A_11, %add3A_16 : vector<16xf32>
    %sub3A_17 = arith.constant 1.000000e+01 : f32
    %sub3A_18 = vector.broadcast %sub3A_17 : f32 to vector<16xf32>
    %sub3A_19 = arith.subf %mul3A_8, %sub3A_18 : vector<16xf32>
    %neg3A_20 = arith.constant 0.000000e+00 : f32
    %neg3A_21 = vector.broadcast %neg3A_20 : f32 to vector<16xf32>
    %neg3A_22 = arith.subf %neg3A_21, %sub3A_19 : vector<16xf32>
    %exp3A_23 = math.exp %neg3A_22 : vector<16xf32>
    %add3A_24 = arith.constant 1.000000e+00 : f32
    %add3A_25 = vector.broadcast %add3A_24 : f32 to vector<16xf32>
    %add3A_26 = arith.addf %add3A_25, %exp3A_23 : vector<16xf32>
    %div3A_27 = arith.divf %sub3A_19, %add3A_26 : vector<16xf32>
    %sub3A_28 = arith.subf %div3A, %div3A_27 : vector<16xf32>
    %div3A_29 = arith.constant 2.000000e+01 : f32
    %div3A_30 = vector.broadcast %div3A_29 : f32 to vector<16xf32>
    %div3A_31 = arith.divf %sub3A_28, %div3A_30 : vector<16xf32>
    %neg3A_32 = arith.constant 0.000000e+00 : f32
    %neg3A_33 = vector.broadcast %neg3A_32 : f32 to vector<16xf32>
    %neg3A_34 = arith.subf %neg3A_33, %sub3A : vector<16xf32>
    %add3A_35 = arith.constant 5.000000e-01 : f32
    %add3A_36 = vector.broadcast %add3A_35 : f32 to vector<16xf32>
    %add3A_37 = arith.addf %neg3A_34, %add3A_36 : vector<16xf32>
    %mul3A_38 = arith.constant 2.000000e+01 : f32
    %mul3A_39 = vector.broadcast %mul3A_38 : f32 to vector<16xf32>
    %mul3A_40 = arith.mulf %mul3A_39, %add3A_37 : vector<16xf32>
    %add3A_41 = arith.constant 1.000000e+01 : f32
    %add3A_42 = vector.broadcast %add3A_41 : f32 to vector<16xf32>
    %add3A_43 = arith.addf %mul3A_40, %add3A_42 : vector<16xf32>
    %neg3A_44 = arith.constant 0.000000e+00 : f32
    %neg3A_45 = vector.broadcast %neg3A_44 : f32 to vector<16xf32>
    %neg3A_46 = arith.subf %neg3A_45, %add3A_43 : vector<16xf32>
    %exp3A_47 = math.exp %neg3A_46 : vector<16xf32>
    %add3A_48 = arith.constant 1.000000e+00 : f32
    %add3A_49 = vector.broadcast %add3A_48 : f32 to vector<16xf32>
    %add3A_50 = arith.addf %add3A_49, %exp3A_47 : vector<16xf32>
    %div3A_51 = arith.divf %add3A_43, %add3A_50 : vector<16xf32>
    %sub3A_52 = arith.constant 1.000000e+01 : f32
    %sub3A_53 = vector.broadcast %sub3A_52 : f32 to vector<16xf32>
    %sub3A_54 = arith.subf %mul3A_40, %sub3A_53 : vector<16xf32>
    %neg3A_55 = arith.constant 0.000000e+00 : f32
    %neg3A_56 = vector.broadcast %neg3A_55 : f32 to vector<16xf32>
    %neg3A_57 = arith.subf %neg3A_56, %sub3A_54 : vector<16xf32>
    %exp3A_58 = math.exp %neg3A_57 : vector<16xf32>
    %add3A_59 = arith.constant 1.000000e+00 : f32
    %add3A_60 = vector.broadcast %add3A_59 : f32 to vector<16xf32>
    %add3A_61 = arith.addf %add3A_60, %exp3A_58 : vector<16xf32>
    %div3A_62 = arith.divf %sub3A_54, %add3A_61 : vector<16xf32>
    %sub3A_63 = arith.subf %div3A_51, %div3A_62 : vector<16xf32>
    %div3A_64 = arith.constant 2.000000e+01 : f32
    %div3A_65 = vector.broadcast %div3A_64 : f32 to vector<16xf32>
    %div3A_66 = arith.divf %sub3A_63, %div3A_65 : vector<16xf32>
    %mul3A_67 = arith.mulf %div3A_31, %div3A_66 : vector<16xf32>
    %swap3A = arith.constant 0 : index
    %swap3A_68 = tpu.vector_load %arg6[%swap3A] {strides = array<i32>} : memref<64xf32, #tpu.memory_space<vmem>>, vector<16xf32>,
    tpu.vector_store %arg6[%swap3A], %mul3A_67 {strides = array<i32>} : memref<64xf32, #tpu.memory_space<vmem>>, vector<16xf32>,
    %iota3A_69 = tpu.iota {dimensions = array<i32: 0>} : vector<16xi32>
    %convert_element_type3A_70 = arith.sitofp %iota3A_69 : vector<16xi32> to vector<16xf32>
    %add3A_71 = arith.constant 1.600000e+01 : f32
    %add3A_72 = vector.broadcast %add3A_71 : f32 to vector<16xf32>
    %add3A_73 = arith.addf %convert_element_type3A_70, %add3A_72 : vector<16xf32>
    %sub3A_74 = arith.subf %get3A_0, %add3A_73 : vector<16xf32>
    %add3A_75 = arith.constant 5.000000e-01 : f32
    %add3A_76 = vector.broadcast %add3A_75 : f32 to vector<16xf32>
    %add3A_77 = arith.addf %sub3A_74, %add3A_76 : vector<16xf32>
    %mul3A_78 = arith.constant 2.000000e+01 : f32
    %mul3A_79 = vector.broadcast %mul3A_78 : f32 to vector<16xf32>
    %mul3A_80 = arith.mulf %mul3A_79, %add3A_77 : vector<16xf32>
    %add3A_81 = arith.constant 1.000000e+01 : f32
    %add3A_82 = vector.broadcast %add3A_81 : f32 to vector<16xf32>
    %add3A_83 = arith.addf %mul3A_80, %add3A_82 : vector<16xf32>
    %neg3A_84 = arith.constant 0.000000e+00 : f32
    %neg3A_85 = vector.broadcast %neg3A_84 : f32 to vector<16xf32>
    %neg3A_86 = arith.subf %neg3A_85, %add3A_83 : vector<16xf32>
    %exp3A_87 = math.exp %neg3A_86 : vector<16xf32>
    %add3A_88 = arith.constant 1.000000e+00 : f32
    %add3A_89 = vector.broadcast %add3A_88 : f32 to vector<16xf32>
    %add3A_90 = arith.addf %add3A_89, %exp3A_87 : vector<16xf32>
    %div3A_91 = arith.divf %add3A_83, %add3A_90 : vector<16xf32>
    %sub3A_92 = arith.constant 1.000000e+01 : f32
    %sub3A_93 = vector.broadcast %sub3A_92 : f32 to vector<16xf32>
    %sub3A_94 = arith.subf %mul3A_80, %sub3A_93 : vector<16xf32>
    %neg3A_95 = arith.constant 0.000000e+00 : f32
    %neg3A_96 = vector.broadcast %neg3A_95 : f32 to vector<16xf32>
    %neg3A_97 = arith.subf %neg3A_96, %sub3A_94 : vector<16xf32>
    %exp3A_98 = math.exp %neg3A_97 : vector<16xf32>
    %add3A_99 = arith.constant 1.000000e+00 : f32
    %add3A_100 = vector.broadcast %add3A_99 : f32 to vector<16xf32>
    %add3A_101 = arith.addf %add3A_100, %exp3A_98 : vector<16xf32>
    %div3A_102 = arith.divf %sub3A_94, %add3A_101 : vector<16xf32>
    %sub3A_103 = arith.subf %div3A_91, %div3A_102 : vector<16xf32>
    %div3A_104 = arith.constant 2.000000e+01 : f32
    %div3A_105 = vector.broadcast %div3A_104 : f32 to vector<16xf32>
    %div3A_106 = arith.divf %sub3A_103, %div3A_105 : vector<16xf32>
    %neg3A_107 = arith.constant 0.000000e+00 : f32
    %neg3A_108 = vector.broadcast %neg3A_107 : f32 to vector<16xf32>
    %neg3A_109 = arith.subf %neg3A_108, %sub3A_74 : vector<16xf32>
    %add3A_110 = arith.constant 5.000000e-01 : f32
    %add3A_111 = vector.broadcast %add3A_110 : f32 to vector<16xf32>
    %add3A_112 = arith.addf %neg3A_109, %add3A_111 : vector<16xf32>
    %mul3A_113 = arith.constant 2.000000e+01 : f32
    %mul3A_114 = vector.broadcast %mul3A_113 : f32 to vector<16xf32>
    %mul3A_115 = arith.mulf %mul3A_114, %add3A_112 : vector<16xf32>
    %add3A_116 = arith.constant 1.000000e+01 : f32
    %add3A_117 = vector.broadcast %add3A_116 : f32 to vector<16xf32>
    %add3A_118 = arith.addf %mul3A_115, %add3A_117 : vector<16xf32>
    %neg3A_119 = arith.constant 0.000000e+00 : f32
    %neg3A_120 = vector.broadcast %neg3A_119 : f32 to vector<16xf32>
    %neg3A_121 = arith.subf %neg3A_120, %add3A_118 : vector<16xf32>
    %exp3A_122 = math.exp %neg3A_121 : vector<16xf32>
    %add3A_123 = arith.constant 1.000000e+00 : f32
    %add3A_124 = vector.broadcast %add3A_123 : f32 to vector<16xf32>
    %add3A_125 = arith.addf %add3A_124, %exp3A_122 : vector<16xf32>
    %div3A_126 = arith.divf %add3A_118, %add3A_125 : vector<16xf32>
    %sub3A_127 = arith.constant 1.000000e+01 : f32
    %sub3A_128 = vector.broadcast %sub3A_127 : f32 to vector<16xf32>
    %sub3A_129 = arith.subf %mul3A_115, %sub3A_128 : vector<16xf32>
    %neg3A_130 = arith.constant 0.000000e+00 : f32
    %neg3A_131 = vector.broadcast %neg3A_130 : f32 to vector<16xf32>
    %neg3A_132 = arith.subf %neg3A_131, %sub3A_129 : vector<16xf32>
    %exp3A_133 = math.exp %neg3A_132 : vector<16xf32>
    %add3A_134 = arith.constant 1.000000e+00 : f32
    %add3A_135 = vector.broadcast %add3A_134 : f32 to vector<16xf32>
    %add3A_136 = arith.addf %add3A_135, %exp3A_133 : vector<16xf32>
    %div3A_137 = arith.divf %sub3A_129, %add3A_136 : vector<16xf32>
    %sub3A_138 = arith.subf %div3A_126, %div3A_137 : vector<16xf32>
    %div3A_139 = arith.constant 2.000000e+01 : f32
    %div3A_140 = vector.broadcast %div3A_139 : f32 to vector<16xf32>
    %div3A_141 = arith.divf %sub3A_138, %div3A_140 : vector<16xf32>
    %mul3A_142 = arith.mulf %div3A_106, %div3A_141 : vector<16xf32>
    %swap3A_143 = arith.constant 16 : index
    %swap3A_144 = tpu.vector_load %arg6[%swap3A_143] {strides = array<i32>} : memref<64xf32, #tpu.memory_space<vmem>>, vector<16xf32>,
    tpu.vector_store %arg6[%swap3A_143], %mul3A_142 {strides = array<i32>} : memref<64xf32, #tpu.memory_space<vmem>>, vector<16xf32>,
    %add3A_145 = arith.constant 16 : i32
    %add3A_146 = vector.broadcast %add3A_145 : i32 to vector<16xi32>
    %add3A_147 = arith.addi %iota3A, %add3A_146 : vector<16xi32>
    %gt3A = arith.cmpf ogt, %mul3A_142, %mul3A_67 : vector<16xf32>
    %select_n3A = arith.select %gt3A, %mul3A_142, %mul3A_67 : vector<16xi1>, vector<16xf32>
    %select_n3A_148 = arith.select %gt3A, %add3A_147, %iota3A : vector<16xi1>, vector<16xi32>
    %iota3A_149 = tpu.iota {dimensions = array<i32: 0>} : vector<16xi32>
    %convert_element_type3A_150 = arith.sitofp %iota3A_149 : vector<16xi32> to vector<16xf32>
    %add3A_151 = arith.constant 3.200000e+01 : f32
    %add3A_152 = vector.broadcast %add3A_151 : f32 to vector<16xf32>
    %add3A_153 = arith.addf %convert_element_type3A_150, %add3A_152 : vector<16xf32>
    %sub3A_154 = arith.subf %get3A_0, %add3A_153 : vector<16xf32>
    %add3A_155 = arith.constant 5.000000e-01 : f32
    %add3A_156 = vector.broadcast %add3A_155 : f32 to vector<16xf32>
    %add3A_157 = arith.addf %sub3A_154, %add3A_156 : vector<16xf32>
    %mul3A_158 = arith.constant 2.000000e+01 : f32
    %mul3A_159 = vector.broadcast %mul3A_158 : f32 to vector<16xf32>
    %mul3A_160 = arith.mulf %mul3A_159, %add3A_157 : vector<16xf32>
    %add3A_161 = arith.constant 1.000000e+01 : f32
    %add3A_162 = vector.broadcast %add3A_161 : f32 to vector<16xf32>
    %add3A_163 = arith.addf %mul3A_160, %add3A_162 : vector<16xf32>
    %neg3A_164 = arith.constant 0.000000e+00 : f32
    %neg3A_165 = vector.broadcast %neg3A_164 : f32 to vector<16xf32>
    %neg3A_166 = arith.subf %neg3A_165, %add3A_163 : vector<16xf32>
    %exp3A_167 = math.exp %neg3A_166 : vector<16xf32>
    %add3A_168 = arith.constant 1.000000e+00 : f32
    %add3A_169 = vector.broadcast %add3A_168 : f32 to vector<16xf32>
    %add3A_170 = arith.addf %add3A_169, %exp3A_167 : vector<16xf32>
    %div3A_171 = arith.divf %add3A_163, %add3A_170 : vector<16xf32>
    %sub3A_172 = arith.constant 1.000000e+01 : f32
    %sub3A_173 = vector.broadcast %sub3A_172 : f32 to vector<16xf32>
    %sub3A_174 = arith.subf %mul3A_160, %sub3A_173 : vector<16xf32>
    %neg3A_175 = arith.constant 0.000000e+00 : f32
    %neg3A_176 = vector.broadcast %neg3A_175 : f32 to vector<16xf32>
    %neg3A_177 = arith.subf %neg3A_176, %sub3A_174 : vector<16xf32>
    %exp3A_178 = math.exp %neg3A_177 : vector<16xf32>
    %add3A_179 = arith.constant 1.000000e+00 : f32
    %add3A_180 = vector.broadcast %add3A_179 : f32 to vector<16xf32>
    %add3A_181 = arith.addf %add3A_180, %exp3A_178 : vector<16xf32>
    %div3A_182 = arith.divf %sub3A_174, %add3A_181 : vector<16xf32>
    %sub3A_183 = arith.subf %div3A_171, %div3A_182 : vector<16xf32>
    %div3A_184 = arith.constant 2.000000e+01 : f32
    %div3A_185 = vector.broadcast %div3A_184 : f32 to vector<16xf32>
    %div3A_186 = arith.divf %sub3A_183, %div3A_185 : vector<16xf32>
    %neg3A_187 = arith.constant 0.000000e+00 : f32
    %neg3A_188 = vector.broadcast %neg3A_187 : f32 to vector<16xf32>
    %neg3A_189 = arith.subf %neg3A_188, %sub3A_154 : vector<16xf32>
    %add3A_190 = arith.constant 5.000000e-01 : f32
    %add3A_191 = vector.broadcast %add3A_190 : f32 to vector<16xf32>
    %add3A_192 = arith.addf %neg3A_189, %add3A_191 : vector<16xf32>
    %mul3A_193 = arith.constant 2.000000e+01 : f32
    %mul3A_194 = vector.broadcast %mul3A_193 : f32 to vector<16xf32>
    %mul3A_195 = arith.mulf %mul3A_194, %add3A_192 : vector<16xf32>
    %add3A_196 = arith.constant 1.000000e+01 : f32
    %add3A_197 = vector.broadcast %add3A_196 : f32 to vector<16xf32>
    %add3A_198 = arith.addf %mul3A_195, %add3A_197 : vector<16xf32>
    %neg3A_199 = arith.constant 0.000000e+00 : f32
    %neg3A_200 = vector.broadcast %neg3A_199 : f32 to vector<16xf32>
    %neg3A_201 = arith.subf %neg3A_200, %add3A_198 : vector<16xf32>
    %exp3A_202 = math.exp %neg3A_201 : vector<16xf32>
    %add3A_203 = arith.constant 1.000000e+00 : f32
    %add3A_204 = vector.broadcast %add3A_203 : f32 to vector<16xf32>
    %add3A_205 = arith.addf %add3A_204, %exp3A_202 : vector<16xf32>
    %div3A_206 = arith.divf %add3A_198, %add3A_205 : vector<16xf32>
    %sub3A_207 = arith.constant 1.000000e+01 : f32
    %sub3A_208 = vector.broadcast %sub3A_207 : f32 to vector<16xf32>
    %sub3A_209 = arith.subf %mul3A_195, %sub3A_208 : vector<16xf32>
    %neg3A_210 = arith.constant 0.000000e+00 : f32
    %neg3A_211 = vector.broadcast %neg3A_210 : f32 to vector<16xf32>
    %neg3A_212 = arith.subf %neg3A_211, %sub3A_209 : vector<16xf32>
    %exp3A_213 = math.exp %neg3A_212 : vector<16xf32>
    %add3A_214 = arith.constant 1.000000e+00 : f32
    %add3A_215 = vector.broadcast %add3A_214 : f32 to vector<16xf32>
    %add3A_216 = arith.addf %add3A_215, %exp3A_213 : vector<16xf32>
    %div3A_217 = arith.divf %sub3A_209, %add3A_216 : vector<16xf32>
    %sub3A_218 = arith.subf %div3A_206, %div3A_217 : vector<16xf32>
    %div3A_219 = arith.constant 2.000000e+01 : f32
    %div3A_220 = vector.broadcast %div3A_219 : f32 to vector<16xf32>
    %div3A_221 = arith.divf %sub3A_218, %div3A_220 : vector<16xf32>
    %mul3A_222 = arith.mulf %div3A_186, %div3A_221 : vector<16xf32>
    %swap3A_223 = arith.constant 32 : index
    %swap3A_224 = tpu.vector_load %arg6[%swap3A_223] {strides = array<i32>} : memref<64xf32, #tpu.memory_space<vmem>>, vector<16xf32>,
    tpu.vector_store %arg6[%swap3A_223], %mul3A_222 {strides = array<i32>} : memref<64xf32, #tpu.memory_space<vmem>>, vector<16xf32>,
    %add3A_225 = arith.constant 32 : i32
    %add3A_226 = vector.broadcast %add3A_225 : i32 to vector<16xi32>
    %add3A_227 = arith.addi %iota3A, %add3A_226 : vector<16xi32>
    %gt3A_228 = arith.cmpf ogt, %mul3A_222, %select_n3A : vector<16xf32>
    %select_n3A_229 = arith.select %gt3A_228, %mul3A_222, %select_n3A : vector<16xi1>, vector<16xf32>
    %select_n3A_230 = arith.select %gt3A_228, %add3A_227, %select_n3A_148 : vector<16xi1>, vector<16xi32>
    %iota3A_231 = tpu.iota {dimensions = array<i32: 0>} : vector<16xi32>
    %convert_element_type3A_232 = arith.sitofp %iota3A_231 : vector<16xi32> to vector<16xf32>
    %add3A_233 = arith.constant 4.800000e+01 : f32
    %add3A_234 = vector.broadcast %add3A_233 : f32 to vector<16xf32>
    %add3A_235 = arith.addf %convert_element_type3A_232, %add3A_234 : vector<16xf32>
    %sub3A_236 = arith.subf %get3A_0, %add3A_235 : vector<16xf32>
    %add3A_237 = arith.constant 5.000000e-01 : f32
    %add3A_238 = vector.broadcast %add3A_237 : f32 to vector<16xf32>
    %add3A_239 = arith.addf %sub3A_236, %add3A_238 : vector<16xf32>
    %mul3A_240 = arith.constant 2.000000e+01 : f32
    %mul3A_241 = vector.broadcast %mul3A_240 : f32 to vector<16xf32>
    %mul3A_242 = arith.mulf %mul3A_241, %add3A_239 : vector<16xf32>
    %add3A_243 = arith.constant 1.000000e+01 : f32
    %add3A_244 = vector.broadcast %add3A_243 : f32 to vector<16xf32>
    %add3A_245 = arith.addf %mul3A_242, %add3A_244 : vector<16xf32>
    %neg3A_246 = arith.constant 0.000000e+00 : f32
    %neg3A_247 = vector.broadcast %neg3A_246 : f32 to vector<16xf32>
    %neg3A_248 = arith.subf %neg3A_247, %add3A_245 : vector<16xf32>
    %exp3A_249 = math.exp %neg3A_248 : vector<16xf32>
    %add3A_250 = arith.constant 1.000000e+00 : f32
    %add3A_251 = vector.broadcast %add3A_250 : f32 to vector<16xf32>
    %add3A_252 = arith.addf %add3A_251, %exp3A_249 : vector<16xf32>
    %div3A_253 = arith.divf %add3A_245, %add3A_252 : vector<16xf32>
    %sub3A_254 = arith.constant 1.000000e+01 : f32
    %sub3A_255 = vector.broadcast %sub3A_254 : f32 to vector<16xf32>
    %sub3A_256 = arith.subf %mul3A_242, %sub3A_255 : vector<16xf32>
    %neg3A_257 = arith.constant 0.000000e+00 : f32
    %neg3A_258 = vector.broadcast %neg3A_257 : f32 to vector<16xf32>
    %neg3A_259 = arith.subf %neg3A_258, %sub3A_256 : vector<16xf32>
    %exp3A_260 = math.exp %neg3A_259 : vector<16xf32>
    %add3A_261 = arith.constant 1.000000e+00 : f32
    %add3A_262 = vector.broadcast %add3A_261 : f32 to vector<16xf32>
    %add3A_263 = arith.addf %add3A_262, %exp3A_260 : vector<16xf32>
    %div3A_264 = arith.divf %sub3A_256, %add3A_263 : vector<16xf32>
    %sub3A_265 = arith.subf %div3A_253, %div3A_264 : vector<16xf32>
    %div3A_266 = arith.constant 2.000000e+01 : f32
    %div3A_267 = vector.broadcast %div3A_266 : f32 to vector<16xf32>
    %div3A_268 = arith.divf %sub3A_265, %div3A_267 : vector<16xf32>
    %neg3A_269 = arith.constant 0.000000e+00 : f32
    %neg3A_270 = vector.broadcast %neg3A_269 : f32 to vector<16xf32>
    %neg3A_271 = arith.subf %neg3A_270, %sub3A_236 : vector<16xf32>
    %add3A_272 = arith.constant 5.000000e-01 : f32
    %add3A_273 = vector.broadcast %add3A_272 : f32 to vector<16xf32>
    %add3A_274 = arith.addf %neg3A_271, %add3A_273 : vector<16xf32>
    %mul3A_275 = arith.constant 2.000000e+01 : f32
    %mul3A_276 = vector.broadcast %mul3A_275 : f32 to vector<16xf32>
    %mul3A_277 = arith.mulf %mul3A_276, %add3A_274 : vector<16xf32>
    %add3A_278 = arith.constant 1.000000e+01 : f32
    %add3A_279 = vector.broadcast %add3A_278 : f32 to vector<16xf32>
    %add3A_280 = arith.addf %mul3A_277, %add3A_279 : vector<16xf32>
    %neg3A_281 = arith.constant 0.000000e+00 : f32
    %neg3A_282 = vector.broadcast %neg3A_281 : f32 to vector<16xf32>
    %neg3A_283 = arith.subf %neg3A_282, %add3A_280 : vector<16xf32>
    %exp3A_284 = math.exp %neg3A_283 : vector<16xf32>
    %add3A_285 = arith.constant 1.000000e+00 : f32
    %add3A_286 = vector.broadcast %add3A_285 : f32 to vector<16xf32>
    %add3A_287 = arith.addf %add3A_286, %exp3A_284 : vector<16xf32>
    %div3A_288 = arith.divf %add3A_280, %add3A_287 : vector<16xf32>
    %sub3A_289 = arith.constant 1.000000e+01 : f32
    %sub3A_290 = vector.broadcast %sub3A_289 : f32 to vector<16xf32>
    %sub3A_291 = arith.subf %mul3A_277, %sub3A_290 : vector<16xf32>
    %neg3A_292 = arith.constant 0.000000e+00 : f32
    %neg3A_293 = vector.broadcast %neg3A_292 : f32 to vector<16xf32>
    %neg3A_294 = arith.subf %neg3A_293, %sub3A_291 : vector<16xf32>
    %exp3A_295 = math.exp %neg3A_294 : vector<16xf32>
    %add3A_296 = arith.constant 1.000000e+00 : f32
    %add3A_297 = vector.broadcast %add3A_296 : f32 to vector<16xf32>
    %add3A_298 = arith.addf %add3A_297, %exp3A_295 : vector<16xf32>
    %div3A_299 = arith.divf %sub3A_291, %add3A_298 : vector<16xf32>
    %sub3A_300 = arith.subf %div3A_288, %div3A_299 : vector<16xf32>
    %div3A_301 = arith.constant 2.000000e+01 : f32
    %div3A_302 = vector.broadcast %div3A_301 : f32 to vector<16xf32>
    %div3A_303 = arith.divf %sub3A_300, %div3A_302 : vector<16xf32>
    %mul3A_304 = arith.mulf %div3A_268, %div3A_303 : vector<16xf32>
    %swap3A_305 = arith.constant 48 : index
    %swap3A_306 = tpu.vector_load %arg6[%swap3A_305] {strides = array<i32>} : memref<64xf32, #tpu.memory_space<vmem>>, vector<16xf32>,
    tpu.vector_store %arg6[%swap3A_305], %mul3A_304 {strides = array<i32>} : memref<64xf32, #tpu.memory_space<vmem>>, vector<16xf32>,
    %add3A_307 = arith.constant 48 : i32
    %add3A_308 = vector.broadcast %add3A_307 : i32 to vector<16xi32>
    %add3A_309 = arith.addi %iota3A, %add3A_308 : vector<16xi32>
    %gt3A_310 = arith.cmpf ogt, %mul3A_304, %select_n3A_229 : vector<16xf32>
    %select_n3A_311 = arith.select %gt3A_310, %mul3A_304, %select_n3A_229 : vector<16xi1>, vector<16xf32>
    %select_n3A_312 = arith.select %gt3A_310, %add3A_309, %select_n3A_230 : vector<16xi1>, vector<16xi32>
    tpu.enqueue_dma source(%arg6 : memref<64xf32, #tpu.memory_space<vmem>>) target(%arg3 : memref<64xf32, #tpu.memory_space<hbm>>) target_semaphore(%arg10 : memref<!tpu.dma_semaphore, #tpu.memory_space<semaphore_mem>>)
    %swap3A_313 = arith.constant 0 : index
    %swap3A_314 = tpu.vector_load %arg8[%swap3A_313] {strides = array<i32>} : memref<16xf32, #tpu.memory_space<vmem>>, vector<16xf32>,
    tpu.vector_store %arg8[%swap3A_313], %select_n3A_311 {strides = array<i32>} : memref<16xf32, #tpu.memory_space<vmem>>, vector<16xf32>,
    %swap3A_315 = arith.constant 0 : index
    %swap3A_316 = tpu.vector_load %arg9[%swap3A_315] {strides = array<i32>} : memref<16xi32, #tpu.memory_space<vmem>>, vector<16xi32>,
    tpu.vector_store %arg9[%swap3A_315], %select_n3A_312 {strides = array<i32>} : memref<16xi32, #tpu.memory_space<vmem>>, vector<16xi32>,
    %xor3A = arith.constant 8 : i32
    %xor3A_317 = vector.broadcast %xor3A : i32 to vector<16xi32>
    %xor3A_318 = arith.xori %iota3A, %xor3A_317 : vector<16xi32>
    %gather3A = tpu.vector_load_idx %arg8[%xor3A_318] : memref<16xf32, #tpu.memory_space<vmem>>[vector<16xi32>], vector<16xf32>,
    %gather3A_319 = tpu.vector_load_idx %arg9[%xor3A_318] : memref<16xi32, #tpu.memory_space<vmem>>[vector<16xi32>], vector<16xi32>,
    %gt3A_320 = arith.cmpf ogt, %gather3A, %select_n3A_311 : vector<16xf32>
    %eq3A = arith.cmpf oeq, %gather3A, %select_n3A_311 : vector<16xf32>
    %lt3A = arith.cmpi slt, %gather3A_319, %select_n3A_312 : vector<16xi32>
    %and3A = arith.andi %eq3A, %lt3A : vector<16xi1>
    %or3A = arith.ori %gt3A_320, %and3A : vector<16xi1>
    %select_n3A_321 = arith.select %or3A, %gather3A, %select_n3A_311 : vector<16xi1>, vector<16xf32>
    %select_n3A_322 = arith.select %or3A, %gather3A_319, %select_n3A_312 : vector<16xi1>, vector<16xi32>
    %swap3A_323 = arith.constant 0 : index
    %swap3A_324 = tpu.vector_load %arg8[%swap3A_323] {strides = array<i32>} : memref<16xf32, #tpu.memory_space<vmem>>, vector<16xf32>,
    tpu.vector_store %arg8[%swap3A_323], %select_n3A_321 {strides = array<i32>} : memref<16xf32, #tpu.memory_space<vmem>>, vector<16xf32>,
    %swap3A_325 = arith.constant 0 : index
    %swap3A_326 = tpu.vector_load %arg9[%swap3A_325] {strides = array<i32>} : memref<16xi32, #tpu.memory_space<vmem>>, vector<16xi32>,
    tpu.vector_store %arg9[%swap3A_325], %select_n3A_322 {strides = array<i32>} : memref<16xi32, #tpu.memory_space<vmem>>, vector<16xi32>,
    %xor3A_327 = arith.constant 4 : i32
    %xor3A_328 = vector.broadcast %xor3A_327 : i32 to vector<16xi32>
    %xor3A_329 = arith.xori %iota3A, %xor3A_328 : vector<16xi32>
    %gather3A_330 = tpu.vector_load_idx %arg8[%xor3A_329] : memref<16xf32, #tpu.memory_space<vmem>>[vector<16xi32>], vector<16xf32>,
    %gather3A_331 = tpu.vector_load_idx %arg9[%xor3A_329] : memref<16xi32, #tpu.memory_space<vmem>>[vector<16xi32>], vector<16xi32>,
    %gt3A_332 = arith.cmpf ogt, %gather3A_330, %select_n3A_321 : vector<16xf32>
    %eq3A_333 = arith.cmpf oeq, %gather3A_330, %select_n3A_321 : vector<16xf32>
    %lt3A_334 = arith.cmpi slt, %gather3A_331, %select_n3A_322 : vector<16xi32>
    %and3A_335 = arith.andi %eq3A_333, %lt3A_334 : vector<16xi1>
    %or3A_336 = arith.ori %gt3A_332, %and3A_335 : vector<16xi1>
    %select_n3A_337 = arith.select %or3A_336, %gather3A_330, %select_n3A_321 : vector<16xi1>, vector<16xf32>
    %select_n3A_338 = arith.select %or3A_336, %gather3A_331, %select_n3A_322 : vector<16xi1>, vector<16xi32>
    %swap3A_339 = arith.constant 0 : index
    %swap3A_340 = tpu.vector_load %arg8[%swap3A_339] {strides = array<i32>} : memref<16xf32, #tpu.memory_space<vmem>>, vector<16xf32>,
    tpu.vector_store %arg8[%swap3A_339], %select_n3A_337 {strides = array<i32>} : memref<16xf32, #tpu.memory_space<vmem>>, vector<16xf32>,
    %swap3A_341 = arith.constant 0 : index
    %swap3A_342 = tpu.vector_load %arg9[%swap3A_341] {strides = array<i32>} : memref<16xi32, #tpu.memory_space<vmem>>, vector<16xi32>,
    tpu.vector_store %arg9[%swap3A_341], %select_n3A_338 {strides = array<i32>} : memref<16xi32, #tpu.memory_space<vmem>>, vector<16xi32>,
    %xor3A_343 = arith.constant 2 : i32
    %xor3A_344 = vector.broadcast %xor3A_343 : i32 to vector<16xi32>
    %xor3A_345 = arith.xori %iota3A, %xor3A_344 : vector<16xi32>
    %gather3A_346 = tpu.vector_load_idx %arg8[%xor3A_345] : memref<16xf32, #tpu.memory_space<vmem>>[vector<16xi32>], vector<16xf32>,
    %gather3A_347 = tpu.vector_load_idx %arg9[%xor3A_345] : memref<16xi32, #tpu.memory_space<vmem>>[vector<16xi32>], vector<16xi32>,
    %gt3A_348 = arith.cmpf ogt, %gather3A_346, %select_n3A_337 : vector<16xf32>
    %eq3A_349 = arith.cmpf oeq, %gather3A_346, %select_n3A_337 : vector<16xf32>
    %lt3A_350 = arith.cmpi slt, %gather3A_347, %select_n3A_338 : vector<16xi32>
    %and3A_351 = arith.andi %eq3A_349, %lt3A_350 : vector<16xi1>
    %or3A_352 = arith.ori %gt3A_348, %and3A_351 : vector<16xi1>
    %select_n3A_353 = arith.select %or3A_352, %gather3A_346, %select_n3A_337 : vector<16xi1>, vector<16xf32>
    %select_n3A_354 = arith.select %or3A_352, %gather3A_347, %select_n3A_338 : vector<16xi1>, vector<16xi32>
    %swap3A_355 = arith.constant 0 : index
    %swap3A_356 = tpu.vector_load %arg8[%swap3A_355] {strides = array<i32>} : memref<16xf32, #tpu.memory_space<vmem>>, vector<16xf32>,
    tpu.vector_store %arg8[%swap3A_355], %select_n3A_353 {strides = array<i32>} : memref<16xf32, #tpu.memory_space<vmem>>, vector<16xf32>,
    %swap3A_357 = arith.constant 0 : index
    %swap3A_358 = tpu.vector_load %arg9[%swap3A_357] {strides = array<i32>} : memref<16xi32, #tpu.memory_space<vmem>>, vector<16xi32>,
    tpu.vector_store %arg9[%swap3A_357], %select_n3A_354 {strides = array<i32>} : memref<16xi32, #tpu.memory_space<vmem>>, vector<16xi32>,
    %xor3A_359 = arith.constant 1 : i32
    %xor3A_360 = vector.broadcast %xor3A_359 : i32 to vector<16xi32>
    %xor3A_361 = arith.xori %iota3A, %xor3A_360 : vector<16xi32>
    %gather3A_362 = tpu.vector_load_idx %arg8[%xor3A_361] : memref<16xf32, #tpu.memory_space<vmem>>[vector<16xi32>], vector<16xf32>,
    %gather3A_363 = tpu.vector_load_idx %arg9[%xor3A_361] : memref<16xi32, #tpu.memory_space<vmem>>[vector<16xi32>], vector<16xi32>,
    %gt3A_364 = arith.cmpf ogt, %gather3A_362, %select_n3A_353 : vector<16xf32>
    %eq3A_365 = arith.cmpf oeq, %gather3A_362, %select_n3A_353 : vector<16xf32>
    %lt3A_366 = arith.cmpi slt, %gather3A_363, %select_n3A_354 : vector<16xi32>
    %and3A_367 = arith.andi %eq3A_365, %lt3A_366 : vector<16xi1>
    %or3A_368 = arith.ori %gt3A_364, %and3A_367 : vector<16xi1>
    %select_n3A_369 = arith.select %or3A_368, %gather3A_362, %select_n3A_353 : vector<16xi1>, vector<16xf32>
    %select_n3A_370 = arith.select %or3A_368, %gather3A_363, %select_n3A_354 : vector<16xi1>, vector<16xi32>
    %swap3A_371 = arith.constant 0 : index
    %swap3A_372 = tpu.vector_load %arg7[%swap3A_371] {strides = array<i32>} : memref<16xi32, #tpu.memory_space<vmem>>, vector<16xi32>,
    tpu.vector_store %arg7[%swap3A_371], %select_n3A_370 {strides = array<i32>} : memref<16xi32, #tpu.memory_space<vmem>>, vector<16xi32>,
    "tpu.region"() ({
      %run_scoped3A = tpu.sem_alloc : memref<!tpu.dma_semaphore, #tpu.memory_space<semaphore_mem>>
      tpu.enqueue_dma source(%arg7 : memref<16xi32, #tpu.memory_space<vmem>>) target(%arg4 : memref<16xi32, #tpu.memory_space<hbm>>) target_semaphore(%run_scoped3A : memref<!tpu.dma_semaphore, #tpu.memory_space<semaphore_mem>>)
      tpu.wait_dma2 semaphore(%run_scoped3A : memref<!tpu.dma_semaphore, #tpu.memory_space<semaphore_mem>>) src(%arg7 : memref<16xi32, #tpu.memory_space<vmem>>) dst(%arg4 : memref<16xi32, #tpu.memory_space<hbm>>)
      tpu.yield
    }) : () -> ()
    tpu.wait_dma2 semaphore(%arg10 : memref<!tpu.dma_semaphore, #tpu.memory_space<semaphore_mem>>) src(%arg6 : memref<64xf32, #tpu.memory_space<vmem>>) dst(%arg3 : memref<64xf32, #tpu.memory_space<hbm>>)
    return
  }
}

</mosaic_0001>

<sc_bundles>
// kernel: kernel.3.cloned.1.call-start
scs
__scs_entry_jumppad:
0x0: {  	(pc) =	sbr.rel $0x88, $3  }
0x1: {  	(tag) =	ssettag $0x0;
	lr =	simm.s32 $0x1  }
0x2: {  	[smem:$0x3FA0] =	sst lr;
	_ =	strace $0xD0000000  }
0x3: {  	_ = 	snop  }
0x4: {  	_ = 	snop  }
0x5: {  	_ = 	snop  }
0x6: {  	_ = 	snop  }
0x7: {  	_ = 	snop  }
__scs_overlays_trampoline_lowered:
0x8: {  	[smem:$0x3FAF] =	sst s0  }
0x9: {  	[smem:$0x3FB0] =	sst s1  }
0xa: {  	[smem:$0x3FB1] =	sst s2  }
0xb: {  	[smem:$0x3FB2] =	sst s3  }
0xc: {  	[smem:$0x3FB3] =	sst s4  }
0xd: {  	[smem:$0x3FB4] =	sst s5  }
0xe: {  	[smem:$0x3FB5] =	sst s6  }
0xf: {  	[smem:$0x3FB6] =	sst s7  }
0x10: {  	[smem:$0x3FB7] =	sst s8  }
0x11: {  	[smem:$0x3FB8] =	sst s9;
	s0 =	simm.s32 @!p0 $0x0  }
0x12: {  	s1 =	sld [smem:$0x3F9E];
	s0 =	simm.s32 @p0 $0x1  }
0x13: {  	[smem:$0x3FB9] =	sst s0;
	s0 =	simm.s32 @!p1 $0x0  }
0x14: {  	s2 =	sld [smem:$0x3F9D];
	s0 =	simm.s32 @p1 $0x1  }
0x15: {  	[smem:$0x3FBA] =	sst s0;
	s0 =	simm.s32 @!p2 $0x0  }
0x16: {  	s3 =	sld [smem:$0x3FDB];
	s0 =	simm.s32 @p2 $0x1  }
0x17: {  	s4 =	simm.s32 $0x1BF5;
	[smem:$0x3FBC] =	sst s0  }
0x18: {  	s0 =	sld [smem:$0x3F9F];
	_ =	swait.ge [sflag:s4], $0x0  }
0x19: {  	s7 =	sld [smem:$0x3FA0]  }
0x1a: {  	s8 =	sadd.s32 $0xFFFFE003, lr  }
0x1b: {  	s9 =	sadd.s32 $0xFFFFFEF7, lr;
	s5 =	simm.s32 $0xFFFFFFFF;
	p2 =	slt.u32 s8, $0xFFFFF086  }
0x1c: {  	p1 =	slt.u32 s9, $0xF7A;
	s5 =	simm.s32 @!p2 $0x0  }
0x1d: {  	s5 =	simm.s32 @p1 $0x1;
	p0 =	seq.s32 s7, s2  }
0x1e: {  	s7 =	smul.u32 @!p0 $0xF7A, s2;
	p2 =	seq.s32 @!p0 s5, $0x0  }
0x1f: {  	s9 =	smul.u32 $0xF7A, s1;
	s8 =	simm.s32 @!p0 $0x1BF5;
	p2 =	por !p2, p0  }
0x20: {  	[sflag:s8] =	ssyncset.s32 @!p0 $0xFFFFF086;
	s6 =	sadd.s32 @!p0 s3, s7;
	s7 =	simm.s32 @!p0 $0x108  }
0x21: {  	s3 =	sadd.s32 s3, s9;
	s6 =	sadd.s32 @!p0 $0x88, s6;
	s7 =	simm.s32 @p2 $0x1082  }
0x22: {  	[simem:s7], [sflag:s8] =	dma.local @!p0 [hbm:s6], $0xF7A  }
0x23: {  	s9 =	sor.u32 $0xD0000000, s2;
	s6 =	simm.s32 $0x108;
	_ =	swait.ge @!p0 [sflag:s8], $0x0  }
0x24: {  	s3 =	sadd.s32 $0x88, s3;
	s6 =	simm.s32 @!p1 $0x1082;
	[sflag:s4] =	ssyncset.s32 $0xFFFFF086  }
0x25: {  	[simem:s6], [sflag:s4] =	dma.local [hbm:s3], $0xF7A  }
0x26: {  	[smem:$0x3FA0] =	sst s1;
	(tag) =	ssettag s2;
	_ =	strace s9  }
0x27: {  	s1 =	sld [smem:$0x3FB0]  }
0x28: {  	s2 =	sld [smem:$0x3FB1]  }
0x29: {  	s4 =	sld [smem:$0x3FB3]  }
0x2a: {  	p0 =	seq.s32 s5, $0x0;
	s5 =	sld [smem:$0x3FB4]  }
0x2b: {  	s6 =	sld [smem:$0x3FB5]  }
0x2c: {  	s7 =	sld [smem:$0x3FB6]  }
0x2d: {  	s3 =	simm.s32 $0x108;
	s8 =	sld [smem:$0x3FB7]  }
0x2e: {  	s3 =	simm.s32 @!p0 $0x1082;
	s9 =	sld [smem:$0x3FB8]  }
0x2f: {  	lr =	sadd.s32 s0, s3;
	s0 =	sld [smem:$0x3FAF]  }
0x30: {  	s3 =	sld [smem:$0x3FB2]  }
0x31: {  	[smem:$0x3FBB] =	sst s10  }
0x32: {  	s10 =	sld [smem:$0x3FB9];
	_ =	sdelay $0x3  }
0x33: {  	p0 =	seq.s32 s10, $0x1;
	s10 =	sld [smem:$0x3FBB];
	_ =	sdelay $0x3  }
0x34: {  	[smem:$0x3FBB] =	sst s10  }
0x35: {  	s10 =	sld [smem:$0x3FBA];
	_ =	sdelay $0x3  }
0x36: {  	p1 =	seq.s32 s10, $0x1;
	s10 =	sld [smem:$0x3FBB];
	_ =	sdelay $0x3  }
0x37: {  	[smem:$0x3FBB] =	sst s10  }
0x38: {  	s10 =	sld [smem:$0x3FBC]  }
0x39: {  	_ = 	snop;
	(pc) =	sbr.ind lr, $3  }
0x3a: {  	_ = 	snop  }
0x3b: {  	_ = 	snop  }
0x3c: {  	p2 =	seq.s32 s10, $0x1;
	s10 =	sld [smem:$0x3FBB]  }
0x3d: {  	_ =	shalt  }
0x3e: {  	_ =	shalt  }
0x3f: {  	_ =	shalt  }
0x40: {  	_ =	shalt  }
0x41: {  	_ =	shalt  }
0x42: {  	_ =	shalt  }
0x43: {  	_ =	shalt  }
0x44: {  	_ =	shalt  }
0x45: {  	_ =	shalt  }
0x46: {  	_ =	shalt  }
0x47: {  	_ =	shalt  }
0x48: {  	_ =	shalt  }
0x49: {  	_ =	shalt  }
0x4a: {  	_ =	shalt  }
0x4b: {  	_ =	shalt  }
0x4c: {  	_ =	shalt  }
0x4d: {  	_ =	shalt  }
0x4e: {  	_ =	shalt  }
0x4f: {  	_ =	shalt  }
0x50: {  	_ =	shalt  }
0x51: {  	_ =	shalt  }
0x52: {  	_ =	shalt  }
0x53: {  	_ =	shalt  }
0x54: {  	_ =	shalt  }
0x55: {  	_ =	shalt  }
0x56: {  	_ =	shalt  }
0x57: {  	_ =	shalt  }
0x58: {  	_ =	shalt  }
0x59: {  	_ =	shalt  }
0x5a: {  	_ =	shalt  }
0x5b: {  	_ =	shalt  }
0x5c: {  	_ =	shalt  }
0x5d: {  	_ =	shalt  }
0x5e: {  	_ =	shalt  }
0x5f: {  	_ =	shalt  }
0x60: {  	_ =	shalt  }
0x61: {  	_ =	shalt  }
0x62: {  	_ =	shalt  }
0x63: {  	_ =	shalt  }
0x64: {  	_ =	shalt  }
0x65: {  	_ =	shalt  }
0x66: {  	_ =	shalt  }
0x67: {  	_ =	shalt  }
0x68: {  	_ =	shalt  }
0x69: {  	_ =	shalt  }
0x6a: {  	_ =	shalt  }
0x6b: {  	_ =	shalt  }
0x6c: {  	_ =	shalt  }
0x6d: {  	_ =	shalt  }
0x6e: {  	_ =	shalt  }
0x6f: {  	_ =	shalt  }
0x70: {  	_ =	shalt  }
0x71: {  	_ =	shalt  }
0x72: {  	_ =	shalt  }
0x73: {  	_ =	shalt  }
0x74: {  	_ =	shalt  }
0x75: {  	_ =	shalt  }
0x76: {  	_ =	shalt  }
0x77: {  	_ =	shalt  }
0x78: {  	_ =	shalt  }
0x79: {  	_ =	shalt  }
0x7a: {  	_ =	shalt  }
0x7b: {  	_ =	shalt  }
0x7c: {  	_ =	shalt  }
0x7d: {  	_ =	shalt  }
0x7e: {  	_ =	shalt  }
0x7f: {  	_ =	shalt  }
0x80: {  	_ =	shalt  }
0x81: {  	_ =	shalt  }
0x82: {  	_ =	shalt  }
0x83: {  	_ =	shalt  }
0x84: {  	_ =	shalt  }
0x85: {  	_ =	shalt  }
0x86: {  	_ =	shalt  }
0x87: {  	_ =	shalt  }
.Lfunc_end0:
.L_simem_size_0:
called_computation_lowered:
.L_overlay_start_0:
0x88: {  	s0 =	sld [smem:$0x3FD9]  }
0x89: {  	s1 =	sld [smem:$0x3FFE];
	_ =	sdelay $0x3  }
0x8a: {  	s0 =	sadd.s32 s1, s0  }
0x8b: {  	[smem:$0x3FC7] =	sst s0  }
0x8c: {  	_ = 	snop  }
0x8d: {  	s0 =	sld [smem:$0x3FD0];
	_ =	sdelay $0x2  }
0x8e: {  	s13 =	simm.s32 $0xA;
	s2 =	simm.s32 $0x10  }
0x8f: {  	[smem:s2], [sflag:s13] =	dma.local [hbm:s0], $0x1  }
0x90: {  	_ =	swait.eq [sflag:s13], $0x1  }
0x91: {  	[sflag:s13] =	ssyncset.done $0x0  }
0x92: {  	s14 =	sld [smem:$0x10];
	[sflag:s13] =	ssyncadd.s32 $0xFFFFFFFF  }
0x93: {  	s15 =	sld [smem:$0x11];
	(tm) =	ssettm $0x1  }
0x94: {  	s16 =	sld [smem:$0x3FFB];
	_ =	sdelay $0x3  }
0x95: {  	_ =	strace s16  }
0x96: {  	s2 =	sld [smem:$0x3FFC];
	_ =	sdelay $0x3  }
0x97: {  	_ =	strace s2  }
0x98: {  	s2 =	sld [smem:$0x3FFD];
	_ =	sdelay $0x3  }
0x99: {  	_ =	strace s2  }
0x9a: {  	_ =	strace $0x8FFFFFFF  }
0x9b: {  	s17 =	sld [smem:$0x3FDB];
	_ =	sdelay $0x1  }
0x9c: {  	s3 =	simm.s32 $_scs_section_size  }
0x9d: {  	s4 =	simm.s32 $_size__tile_overlayer_lowered;
	s5 =	simm.s32 $_tile_overlayer_lowered  }
0x9e: {  	s20 =	simm.s32 $0x1BFF;
	s19 =	sshll.u32 s5, $0x1;
	s2 =	sadd.s32 s3, s17  }
0x9f: {  	s6 =	simm.s32 $0x0;
	s18 =	sshll.u32 s4, $0x1;
	s4 =	sadd.s32 s19, s2  }
0xa0: {  	[timem:s6], [sflag:s20] =	dma.local [hbm:s4], s18  }
0xa1: {  	_ =	swait.ge [sflag:s20], s18  }
0xa2: {  	s3 =	ssub.s32 $0x0, s18;
	[sflag:s20] =	ssyncset.done $0x0  }
0xa3: {  	[sflag:s20] =	ssyncadd.s32 s3;
	_ =	sdelay $0x1  }
0xa4: {  	s21 =	simm.s32 $0x1B8B  }
0xa5: {  	_ =	swait.ge [sflag:s21], $0x1  }
0xa6: {  	[sflag:s21] =	ssyncset.done $0x0  }
0xa7: {  	s23 =	simm.s32 $0x1B8E;
	s22 =	sld [smem:$0x3FFE];
	[sflag:s21] =	ssyncadd.s32 $0xFFFFFFFF  }
0xa8: {  	s24 =	simm.s32 $execute0_lowered;
	[smem:$0x3FD2] =	sst s23  }
0xa9: {  	s4 =	sshll.u32 s24, $0x1;
	_ =	strace $0x80000046;
	[dreg:$0x1] =	wrdreg $0xFFFFFFFF  }
0xaa: {  	s25 =	simm.s32 $_size_execute0_lowered;
	s2 =	sadd.s32 s2, s4;
	[dreg:$0x0] =	wrdreg $0x0  }
0xab: {  	s4 =	sshll.u32 s25, $0x1;
	[dreg:$0x2] =	wrdreg s2  }
0xac: {  	[dreg:$0x3] =	wrdreg s4  }
0xad: {  	[dreg:$0x4] =	wrdreg $0xC0  }
0xae: {  	_ =	task [dreg:s6], $0x5FFFF  }
0xaf: {  	[dreg:$0x1] =	wrdreg $0xFFFFFFFF  }
0xb0: {  	[dreg:$0x0] =	wrdreg $0x60  }
0xb1: {  	[dreg:$0x2] =	wrdreg s22  }
0xb2: {  	[dreg:$0x3] =	wrdreg s14  }
0xb3: {  	[dreg:$0x4] =	wrdreg s15  }
0xb4: {  	[dreg:$0x5] =	wrdreg $0x9  }
0xb5: {  	_ =	task.clear_ibuf [dreg:s6], $0x6FFFF;
	_ =	strace $0x90000046  }
0xb6: {  	s26 =	simm.s32 $0x9;
	_ =	strace $0x80000048  }
0xb7: {  	_ =	swait.ge [sflag:s26], $0x1  }
0xb8: {  	[sflag:s26] =	ssyncadd.s32 $0xFFFFFFFF  }
0xb9: {  	_ =	strace $0x90000048  }
0xba: {  	_ =	sfence  }
0xbb: {  	s28 =	sld [smem:$0x0];
	_ =	sdelay $0x1  }
0xbc: {  	s29 =	srdreg.scid  }
0xbd: {  	s30 =	sshll.u32 s29, $0xD;
	s31 =	sshrl.u32 s29, $0x2  }
0xbe: {  	s1 =	sand.u32 $0x1, s29;
	s2 =	sand.u32 $0x4000, s30;
	s0 =	sadd.s32 s31, s28  }
0xbf: {  	s1 =	sor.u32 s2, s1;
	s0 =	sshll.u32 s0, $0x11  }
0xc0: {  	s0 =	sor.u32 s0, s1  }
0xc1: {  	s0 =	sadd.s32 $0x8F2B, s0  }
0xc2: {  	[sflag:s0] =	ssyncadd.remote.s32 $0x1  }
0xc3: {  	_ =	sfence.sel $0xFFFF  }
0xc4: {  	[dreg:$0x0] =	wrdreg $0xFFFFFFFF;
	(pc) =	sbr.abs _section_cstart, $3  }
0xc5: {  	[dreg:$0x1] =	wrdreg $0xFFFFFFFF  }
0xc6: {  	_ =	task.clear_ibuf [dreg:s6], $0x2FFFF;
	_ =	strace $0x9FFFFFFF  }
0xc7: {  	(tm) =	ssettm $0x7FFFFFFF  }
tec
execute0_lowered:
.L_overlay_start_1:
0x0: {  	(tag) =	ssettag $0x1  }
0x1: {  	s3 =	stileid.u32  }
0x2: {  	p0 =	sne.s32 s3, $0x0  }
.Ltmp0:
0x3: {  	_ = 	snop;
	(pc) =	sbr.rel @p0 .LBB2_2-.Ltmp0, $4  }
0x4: {  	s2 =	rddreg [dreg:$0x0]  }
0x5: {  	s4 =	rddreg [dreg:$0x1]  }
0x6: {  	s1 =	rddreg [dreg:$0x2]  }
0x7: {  	s0 =	rddreg [dreg:$0x3];
	_ =	strace $0x80000047  }
0x8: {  	v0 =	vimm.f32 $2.000000000e+01  }
0x9: {  	(erf) = vrcp.f32 v0  }
0xa: {  	v41 =	vimm.f32 $-1.500000000e+01;
	vm0 =	vcmask $0x300  }
0xb: {  	vm1 =	vcmask $0x704;
	v0 =	vsel vm0, $0x80000000, v41  }
0xc: {  	vm2 =	vcmask $0xB08;
	v0 =	vsel vm1, $0xBF800000, v0  }
0xd: {  	vm3 =	vcmask $0xF0C;
	v0 =	vsel vm2, $0xC0000000, v0  }
0xe: {  	vm4 =	vcmask $0x1310;
	v0 =	vsel vm3, $0xC0400000, v0  }
0xf: {  	v0 =	vsel vm4, $0xC0800000, v0  }
0x10: {  	vm5 =	vcmask $0x1714  }
0x11: {  	s3 =	sadd.s32 $0x800, s2;
	s25 =	simm.s32 $0x0;
	vm6 =	vcmask $0x1B18;
	s26 =	simm.s32 $0x2;
	v1 =	vsel vm5, $0xC0A00000, v0  }
0x12: {  	vm7 =	vcmask $0x1F1C;
	[tilespmem:s25], [sflag:$0x2] =	stream.linear.gather [hbm4b:s3+s25], $0x80, $0x38;
	v1 =	vsel vm6, $0xC0C00000, v1;
	v0 =	vpop (erf);
	[tilespmem:$0x280] =	vst v63  }
0x13: {  	vm8 =	vcmask $0x2320;
	v1 =	vsel vm7, $0xC0E00000, v1;
	_ =	swait.ge [sflag:s26], $0x80  }
0x14: {  	vm9 =	vcmask $0x2724;
	v1 =	vsel vm8, $0xC1000000, v1;
	[sflag:s26] =	ssyncset.done $0x0  }
0x15: {  	vm10 =	vcmask $0x2B28;
	v1 =	vsel vm9, $0xC1100000, v1;
	[sflag:s26] =	ssyncadd.s32 $0xFFFFFF80  }
0x16: {  	vm11 =	vcmask $0x2F2C;
	v1 =	vsel vm10, $0xC1200000, v1;
	v5 =	vld [tilespmem:$0x0]  }
0x17: {  	vm12 =	vcmask $0x3330;
	v1 =	vsel vm11, $0xC1300000, v1  }
0x18: {  	vm13 =	vcmask $0x3734;
	v1 =	vsel vm12, $0xC1400000, v1  }
0x19: {  	vm14 =	vcmask $0x3B38;
	v1 =	vsel vm13, $0xC1500000, v1  }
0x1a: {  	v1 =	vsel vm14, $0xC1600000, v1  }
0x1b: {  	v3 =	vadd.f32 v1, v5;
	_ =	sdelay $0x1  }
0x1c: {  	v1 =	vadd.f32 $5.000000000e-01, v3;
	_ =	sdelay $0x1  }
0x1d: {  	v2 =	vmul.f32 $2.000000000e+01, v1;
	_ =	sdelay $0x1  }
0x1e: {  	v1 =	vadd.f32 $1.000000000e+01, v2;
	_ =	sdelay $0x1  }
0x1f: {  	v4 =	vsub.f32 $0.0e+00, v1;
	_ =	sdelay $0x1  }
0x20: {  	v4 =	vmul.f32 $1.442695020e+00, v4;
	_ =	sdelay $0x1  }
0x21: {  	(erf) = vpow2.f32 v4;
	_ =	sdelay $0x6  }
0x22: {  	v2 =	vadd.f32 $-1.000000000e+01, v2;
	_ =	sdelay $0x1  }
0x23: {  	v6 =	vsub.f32 $0.0e+00, v2;
	v4 =	vpop (erf)  }
0x24: {  	v4 =	vadd.f32 $1.000000000e+00, v4  }
0x25: {  	v6 =	vmul.f32 $1.442695020e+00, v6  }
0x26: {  	(erf) = vrcp.f32 v4  }
0x27: {  	(erf) = vpow2.f32 v6;
	_ =	sdelay $0x2  }
0x28: {  	v3 =	vsub.f32 $5.000000000e-01, v3;
	_ =	sdelay $0x1  }
0x29: {  	v42 =	vmul.f32 $2.000000000e+01, v3;
	_ =	sdelay $0x1  }
0x2a: {  	v3 =	vadd.f32 $1.000000000e+01, v42  }
0x2b: {  	v4 =	vpop (erf)  }
0x2c: {  	v8 =	vsub.f32 $0.0e+00, v3;
	v7 =	vpop (erf)  }
0x2d: {  	v7 =	vadd.f32 $1.000000000e+00, v7  }
0x2e: {  	v9 =	vimm.f32 $-3.100000000e+01;
	v8 =	vmul.f32 $1.442695020e+00, v8  }
0x2f: {  	v43 =	vsel vm0, $0xC1800000, v9;
	(erf) = vrcp.f32 v7  }
0x30: {  	v7 =	vsel vm1, $0xC1880000, v43;
	(erf) = vpow2.f32 v8  }
0x31: {  	v7 =	vsel vm2, $0xC1900000, v7  }
0x32: {  	v7 =	vsel vm3, $0xC1980000, v7  }
0x33: {  	v7 =	vsel vm4, $0xC1A00000, v7  }
0x34: {  	v7 =	vsel vm5, $0xC1A80000, v7  }
0x35: {  	v7 =	vsel vm6, $0xC1B00000, v7  }
0x36: {  	v7 =	vsel vm7, $0xC1B80000, v7  }
0x37: {  	v6 =	vadd.f32 $-1.000000000e+01, v42;
	v44 =	vsel vm8, $0xC1C00000, v7  }
0x38: {  	v8 =	vsel vm9, $0xC1C80000, v44;
	v45 =	vpop (erf)  }
0x39: {  	v10 =	vsub.f32 $0.0e+00, v6;
	v8 =	vsel vm10, $0xC1D00000, v8;
	v46 =	vpop (erf)  }
0x3a: {  	v8 =	vsel vm11, $0xC1D80000, v8;
	v9 =	vadd.f32 $1.000000000e+00, v46  }
0x3b: {  	v10 =	vmul.f32 $1.442695020e+00, v10;
	v8 =	vsel vm12, $0xC1E00000, v8  }
0x3c: {  	v8 =	vsel vm13, $0xC1E80000, v8;
	(erf) = vrcp.f32 v9  }
0x3d: {  	v8 =	vsel vm14, $0xC1F00000, v8;
	(erf) = vpow2.f32 v10  }
0x3e: {  	v12 =	vadd.f32 v8, v5;
	_ =	sdelay $0x1  }
0x3f: {  	v8 =	vadd.f32 $5.000000000e-01, v12;
	_ =	sdelay $0x1  }
0x40: {  	v47 =	vmul.f32 $2.000000000e+01, v8;
	_ =	sdelay $0x1  }
0x41: {  	v8 =	vadd.f32 $1.000000000e+01, v47  }
0x42: {  	v9 =	vpop (erf)  }
0x43: {  	v13 =	vsub.f32 $0.0e+00, v8;
	v11 =	vpop (erf)  }
0x44: {  	v11 =	vadd.f32 $1.000000000e+00, v11  }
0x45: {  	v13 =	vmul.f32 $1.442695020e+00, v13  }
0x46: {  	(erf) = vrcp.f32 v11  }
0x47: {  	(erf) = vpow2.f32 v13;
	_ =	sdelay $0x6  }
0x48: {  	v10 =	vadd.f32 $-1.000000000e+01, v47  }
0x49: {  	v11 =	vpop (erf)  }
0x4a: {  	v14 =	vsub.f32 $0.0e+00, v10;
	v13 =	vpop (erf)  }
0x4b: {  	v13 =	vadd.f32 $1.000000000e+00, v13  }
0x4c: {  	v14 =	vmul.f32 $1.442695020e+00, v14  }
0x4d: {  	(erf) = vrcp.f32 v13  }
0x4e: {  	(erf) = vpow2.f32 v14;
	_ =	sdelay $0x2  }
0x4f: {  	v12 =	vsub.f32 $5.000000000e-01, v12;
	_ =	sdelay $0x1  }
0x50: {  	v48 =	vmul.f32 $2.000000000e+01, v12;
	_ =	sdelay $0x1  }
0x51: {  	v12 =	vadd.f32 $1.000000000e+01, v48  }
0x52: {  	v13 =	vpop (erf)  }
0x53: {  	v16 =	vsub.f32 $0.0e+00, v12;
	v15 =	vpop (erf)  }
0x54: {  	v15 =	vadd.f32 $1.000000000e+00, v15  }
0x55: {  	v17 =	vimm.f32 $-4.700000000e+01;
	v16 =	vmul.f32 $1.442695020e+00, v16  }
0x56: {  	v49 =	vsel vm0, $0xC2000000, v17;
	(erf) = vrcp.f32 v15  }
0x57: {  	v15 =	vsel vm1, $0xC2040000, v49;
	(erf) = vpow2.f32 v16  }
0x58: {  	v15 =	vsel vm2, $0xC2080000, v15  }
0x59: {  	v15 =	vsel vm3, $0xC20C0000, v15  }
0x5a: {  	v15 =	vsel vm4, $0xC2100000, v15  }
0x5b: {  	v15 =	vsel vm5, $0xC2140000, v15  }
0x5c: {  	v15 =	vsel vm6, $0xC2180000, v15  }
0x5d: {  	v15 =	vsel vm7, $0xC21C0000, v15  }
0x5e: {  	v14 =	vadd.f32 $-1.000000000e+01, v48;
	v15 =	vsel vm8, $0xC2200000, v15  }
0x5f: {  	v15 =	vsel vm9, $0xC2240000, v15;
	v50 =	vpop (erf)  }
0x60: {  	v18 =	vsub.f32 $0.0e+00, v14;
	v15 =	vsel vm10, $0xC2280000, v15;
	v51 =	vpop (erf)  }
0x61: {  	v15 =	vsel vm11, $0xC22C0000, v15;
	v17 =	vadd.f32 $1.000000000e+00, v51  }
0x62: {  	v18 =	vmul.f32 $1.442695020e+00, v18;
	v15 =	vsel vm12, $0xC2300000, v15  }
0x63: {  	v15 =	vsel vm13, $0xC2340000, v15;
	(erf) = vrcp.f32 v17  }
0x64: {  	v15 =	vsel vm14, $0xC2380000, v15;
	(erf) = vpow2.f32 v18  }
0x65: {  	v15 =	vadd.f32 v15, v5;
	_ =	sdelay $0x1  }
0x66: {  	v52 =	vadd.f32 $5.000000000e-01, v15;
	_ =	sdelay $0x1  }
0x67: {  	v17 =	vmul.f32 $2.000000000e+01, v52;
	_ =	sdelay $0x1  }
0x68: {  	v53 =	vadd.f32 $1.000000000e+01, v17  }
0x69: {  	v19 =	vpop (erf)  }
0x6a: {  	v21 =	vsub.f32 $0.0e+00, v53;
	v20 =	vpop (erf)  }
0x6b: {  	v20 =	vadd.f32 $1.000000000e+00, v20  }
0x6c: {  	v21 =	vmul.f32 $1.442695020e+00, v21  }
0x6d: {  	(erf) = vrcp.f32 v20  }
0x6e: {  	(erf) = vpow2.f32 v21;
	_ =	sdelay $0x6  }
0x6f: {  	v17 =	vadd.f32 $-1.000000000e+01, v17  }
0x70: {  	v20 =	vpop (erf)  }
0x71: {  	v22 =	vsub.f32 $0.0e+00, v17;
	v21 =	vpop (erf)  }
0x72: {  	v21 =	vadd.f32 $1.000000000e+00, v21  }
0x73: {  	v22 =	vmul.f32 $1.442695020e+00, v22  }
0x74: {  	(erf) = vrcp.f32 v21  }
0x75: {  	(erf) = vpow2.f32 v22;
	_ =	sdelay $0x2  }
0x76: {  	v15 =	vsub.f32 $5.000000000e-01, v15;
	_ =	sdelay $0x1  }
0x77: {  	v15 =	vmul.f32 $2.000000000e+01, v15;
	_ =	sdelay $0x1  }
0x78: {  	v54 =	vadd.f32 $1.000000000e+01, v15  }
0x79: {  	v55 =	vpop (erf)  }
0x7a: {  	v24 =	vsub.f32 $0.0e+00, v54;
	v23 =	vpop (erf)  }
0x7b: {  	v23 =	vadd.f32 $1.000000000e+00, v23  }
0x7c: {  	v25 =	vimm.f32 $-6.300000000e+01;
	v24 =	vmul.f32 $1.442695020e+00, v24  }
0x7d: {  	v56 =	vsel vm0, $0xC2400000, v25;
	(erf) = vrcp.f32 v23  }
0x7e: {  	v23 =	vsel vm1, $0xC2440000, v56;
	(erf) = vpow2.f32 v24  }
0x7f: {  	v23 =	vsel vm2, $0xC2480000, v23  }
0x80: {  	v23 =	vsel vm3, $0xC24C0000, v23  }
0x81: {  	v23 =	vsel vm4, $0xC2500000, v23  }
0x82: {  	v23 =	vsel vm5, $0xC2540000, v23  }
0x83: {  	v23 =	vsel vm6, $0xC2580000, v23  }
0x84: {  	v23 =	vsel vm7, $0xC25C0000, v23  }
0x85: {  	v15 =	vadd.f32 $-1.000000000e+01, v15;
	v23 =	vsel vm8, $0xC2600000, v23  }
0x86: {  	v23 =	vsel vm9, $0xC2640000, v23;
	v57 =	vpop (erf)  }
0x87: {  	v26 =	vsub.f32 $0.0e+00, v15;
	v23 =	vsel vm10, $0xC2680000, v23;
	v58 =	vpop (erf)  }
0x88: {  	v23 =	vsel vm11, $0xC26C0000, v23;
	v25 =	vadd.f32 $1.000000000e+00, v58  }
0x89: {  	v26 =	vmul.f32 $1.442695020e+00, v26;
	v23 =	vsel vm12, $0xC2700000, v23  }
0x8a: {  	v23 =	vsel vm13, $0xC2740000, v23;
	(erf) = vrcp.f32 v25  }
0x8b: {  	v23 =	vsel vm14, $0xC2780000, v23;
	(erf) = vpow2.f32 v26  }
0x8c: {  	v5 =	vadd.f32 v23, v5;
	_ =	sdelay $0x1  }
0x8d: {  	v23 =	vadd.f32 $5.000000000e-01, v5;
	_ =	sdelay $0x1  }
0x8e: {  	v23 =	vmul.f32 $2.000000000e+01, v23;
	_ =	sdelay $0x1  }
0x8f: {  	v59 =	vadd.f32 $1.000000000e+01, v23  }
0x90: {  	v60 =	vpop (erf)  }
0x91: {  	v28 =	vsub.f32 $0.0e+00, v59;
	v27 =	vpop (erf)  }
0x92: {  	v27 =	vadd.f32 $1.000000000e+00, v27  }
0x93: {  	v28 =	vmul.f32 $1.442695020e+00, v28  }
0x94: {  	(erf) = vrcp.f32 v27  }
0x95: {  	(erf) = vpow2.f32 v28;
	_ =	sdelay $0x6  }
0x96: {  	v23 =	vadd.f32 $-1.000000000e+01, v23  }
0x97: {  	v27 =	vpop (erf)  }
0x98: {  	v29 =	vsub.f32 $0.0e+00, v23;
	v28 =	vpop (erf)  }
0x99: {  	v28 =	vadd.f32 $1.000000000e+00, v28  }
0x9a: {  	v29 =	vmul.f32 $1.442695020e+00, v29  }
0x9b: {  	(erf) = vrcp.f32 v28  }
0x9c: {  	(erf) = vpow2.f32 v29;
	_ =	sdelay $0x2  }
0x9d: {  	v5 =	vsub.f32 $5.000000000e-01, v5;
	_ =	sdelay $0x1  }
0x9e: {  	v5 =	vmul.f32 $2.000000000e+01, v5;
	_ =	sdelay $0x1  }
0x9f: {  	v61 =	vadd.f32 $1.000000000e+01, v5  }
0xa0: {  	v62 =	vpop (erf)  }
0xa1: {  	v31 =	vsub.f32 $0.0e+00, v61;
	v30 =	vpop (erf)  }
0xa2: {  	v30 =	vadd.f32 $1.000000000e+00, v30  }
0xa3: {  	v31 =	vmul.f32 $1.442695020e+00, v31  }
0xa4: {  	(erf) = vrcp.f32 v30  }
0xa5: {  	(erf) = vpow2.f32 v31;
	_ =	sdelay $0x6  }
0xa6: {  	v5 =	vadd.f32 $-1.000000000e+01, v5  }
0xa7: {  	v30 =	vpop (erf)  }
0xa8: {  	v32 =	vsub.f32 $0.0e+00, v5;
	v31 =	vpop (erf)  }
0xa9: {  	v31 =	vadd.f32 $1.000000000e+00, v31  }
0xaa: {  	v32 =	vmul.f32 $1.442695020e+00, v32  }
0xab: {  	(erf) = vrcp.f32 v31  }
0xac: {  	(erf) = vpow2.f32 v32;
	_ =	sdelay $0x7  }
0xad: {  	v1 =	vmul.f32 v4, v1;
	v2 =	vmul.f32 v45, v2;
	v31 =	vpop (erf)  }
0xae: {  	v3 =	vmul.f32 v9, v3;
	v6 =	vmul.f32 v11, v6;
	v63 =	vpop (erf)  }
0xaf: {  	v4 =	vadd.f32 $1.000000000e+00, v63  }
0xb0: {  	v1 =	vsub.f32 v1, v2;
	v3 =	vsub.f32 v3, v6  }
0xb1: {  	(erf) = vrcp.f32 v4  }
0xb2: {  	v1 =	vmul.f32 v1, v0;
	v3 =	vmul.f32 v3, v0  }
0xb3: {  	v13 =	vmul.f32 v13, v8;
	v16 =	vmul.f32 v50, v10;
	_ =	sdelay $0x1  }
0xb4: {  	v1 =	vmul.f32 v3, v1;
	v2 =	vsub.f32 v13, v16  }
0xb5: {  	v42 =	vimm.s32 $0xFEDCBA98;
	v19 =	vmul.f32 v19, v12;
	v32 =	vmul.f32 v20, v14  }
0xb6: {  	v43 =	vimm.s32 $0x76543210;
	v2 =	vmul.f32 v2, v0;
	v34 =	vmul.f32 v55, v53  }
0xb7: {  	v36 =	vmul.f32 v60, v54;
	v37 =	vmul.f32 v27, v15;
	v33 =	vsub.f32 v19, v32  }
0xb8: {  	v44 =	vunpack.c.l.s4.s8 v43;
	v35 =	vmul.f32 v57, v17;
	v38 =	vmul.f32 v62, v59  }
0xb9: {  	v6 =	vsub.f32 v36, v37;
	v39 =	vmul.f32 v30, v23;
	v3 =	vmul.f32 v33, v0;
	v40 =	vpop (erf)  }
0xba: {  	v41 =	vmul.f32 v31, v61;
	v4 =	vsub.f32 v34, v35;
	v5 =	vmul.f32 v40, v5  }
0xbb: {  	v8 =	vunpack.c.l.s4.s8 v42;
	v2 =	vmul.f32 v3, v2;
	v3 =	vsub.f32 v38, v39  }
0xbc: {  	v6 =	vmul.f32 v6, v0;
	v4 =	vmul.f32 v4, v0;
	v5 =	vsub.f32 v41, v5  }
0xbd: {  	v46 =	vunpack.c.0.s8.s32 v44;
	v45 =	vunpack.c.0.s8.s32 v8;
	v3 =	vmul.f32 v3, v0  }
0xbe: {  	vm13 =	vgt.f32 v2, v1;
	v4 =	vmul.f32 v6, v4;
	v0 =	vmul.f32 v5, v0  }
0xbf: {  	v47 =	vlaneseq.u32;
	[tilespmem:$0x80] =	vst v1;
	v1 =	vsel vm13, v2, v1;
	v6 =	vand.u32 $0xF, v45  }
0xc0: {  	[tilespmem:$0x90] =	vst v2;
	v48 =	vcombine.low v6, v46;
	vm14 =	vgt.f32 v4, v1;
	v0 =	vmul.f32 v0, v3  }
0xc1: {  	v49 =	vor.u32 $0x10, v47;
	[tilespmem:$0xA0] =	vst v4;
	v1 =	vsel vm14, v4, v1  }
0xc2: {  	s5 =	simm.s32 $0x80;
	v50 =	vor.u32 $0x20, v47;
	v3 =	vsel vm13, v49, v47;
	[tilespmem:$0xB0] =	vst v0;
	vm15 =	vgt.f32 v0, v1  }
0xc3: {  	v51 =	vor.u32 $0x30, v47;
	v3 =	vsel vm14, v50, v3;
	v0 =	vsel vm15, v0, v1;
	[hbm4b:s4+s25] =	stream.linear.scatter [tilespmem:s5], [sflag:$0x1], $0x80, $0x38;
	[tilespmem:$0x280] =	vst v63  }
0xc4: {  	v1 =	vsel vm15, v51, v3;
	[tilespmem:$0x180] =	vst v0  }
0xc5: {  	s28 =	simm.s32 $0x180;
	[tilespmem:$0x200] =	vst v1  }
0xc6: {  	s29 =	simm.s32 $0x200;
	v53 =	vimm.s32 $0xBA98FEDC;
	v54 =	vimm.s32 $0x32107654;
	v52 =	vld.idx.msk [tilespmem:v48+s28+$0x0], $0xffff  }
0xc7: {  	v4 =	vunpack.c.l.s4.s8 v53;
	v5 =	vunpack.c.l.s4.s8 v54;
	v2 =	vld.idx.msk [tilespmem:v48+s29+$0x0], $0xffff;
	_ =	sdelay $0x1  }
0xc8: {  	v4 =	vunpack.c.0.s8.s32 v4;
	v5 =	vunpack.c.0.s8.s32 v5;
	_ =	sdelay $0x1  }
0xc9: {  	v4 =	vcombine.low v5, v4  }
0xca: {  	vm4 =	veq.f32 v52, v0;
	vm5 =	vlt.s32 v2, v1  }
0xcb: {  	v4 =	vand.u32 $0xF, v4;
	vm6 =	vgt.f32 v52, v0;
	vm0 =	vmand vm4, vm5  }
0xcc: {  	vm0 =	vmor vm6, vm0  }
0xcd: {  	v0 =	vsel vm0, v52, v0  }
0xce: {  	v1 =	vsel vm0, v2, v1;
	[tilespmem:$0x180] =	vst v0  }
0xcf: {  	[tilespmem:$0x200] =	vst v1  }
0xd0: {  	v56 =	vimm.s32 $0xDCFE98BA;
	v57 =	vimm.s32 $0x54761032;
	v55 =	vld.idx.msk [tilespmem:v4+s28+$0x0], $0xffff  }
0xd1: {  	v5 =	vunpack.c.l.s4.s8 v57;
	v3 =	vunpack.c.l.s4.s8 v56;
	v4 =	vld.idx.msk [tilespmem:v4+s29+$0x0], $0xffff;
	_ =	sdelay $0x1  }
0xd2: {  	v5 =	vunpack.c.0.s8.s32 v5;
	v3 =	vunpack.c.0.s8.s32 v3;
	_ =	sdelay $0x1  }
0xd3: {  	v3 =	vcombine.low v5, v3  }
0xd4: {  	vm7 =	veq.f32 v55, v0;
	vm8 =	vlt.s32 v4, v1  }
0xd5: {  	v3 =	vand.u32 $0xF, v3;
	vm9 =	vgt.f32 v55, v0;
	vm0 =	vmand vm7, vm8  }
0xd6: {  	vm0 =	vmor vm9, vm0  }
0xd7: {  	v0 =	vsel vm0, v55, v0  }
0xd8: {  	v1 =	vsel vm0, v4, v1;
	[tilespmem:$0x180] =	vst v0  }
0xd9: {  	[tilespmem:$0x200] =	vst v1  }
0xda: {  	v60 =	vimm.s32 $0x67452301;
	v59 =	vimm.s32 $0xEFCDAB89;
	v58 =	vld.idx.msk [tilespmem:v3+s28+$0x0], $0xffff  }
0xdb: {  	v5 =	vunpack.c.l.s4.s8 v60;
	v4 =	vunpack.c.l.s4.s8 v59;
	v3 =	vld.idx.msk [tilespmem:v3+s29+$0x0], $0xffff;
	_ =	sdelay $0x1  }
0xdc: {  	v5 =	vunpack.c.0.s8.s32 v5;
	v4 =	vunpack.c.0.s8.s32 v4;
	_ =	sdelay $0x1  }
0xdd: {  	v4 =	vcombine.low v5, v4  }
0xde: {  	vm10 =	veq.f32 v58, v0;
	vm11 =	vlt.s32 v3, v1  }
0xdf: {  	v4 =	vand.u32 $0xF, v4;
	vm12 =	vgt.f32 v58, v0;
	vm0 =	vmand vm10, vm11  }
0xe0: {  	vm0 =	vmor vm12, vm0  }
0xe1: {  	v0 =	vsel vm0, v58, v0  }
0xe2: {  	v1 =	vsel vm0, v3, v1;
	[tilespmem:$0x180] =	vst v0  }
0xe3: {  	[tilespmem:$0x200] =	vst v1  }
0xe4: {  	v61 =	vld.idx.msk [tilespmem:v4+s28+$0x0], $0xffff  }
0xe5: {  	v62 =	vld.idx.msk [tilespmem:v4+s29+$0x0], $0xffff;
	_ =	sdelay $0x4  }
0xe6: {  	vm13 =	veq.f32 v61, v0;
	vm14 =	vlt.s32 v62, v1  }
0xe7: {  	vm15 =	vgt.f32 v61, v0;
	vm0 =	vmand vm13, vm14  }
0xe8: {  	vm0 =	vmor vm15, vm0  }
0xe9: {  	v63 =	vsel vm0, v62, v1  }
0xea: {  	s30 =	simm.s32 $0x100;
	[tilespmem:$0x100] =	vst v63  }
0xeb: {  	[hbm4b:s1+s25] =	stream.linear.scatter [tilespmem:s30], [sflag:$0x2], $0x80, $0x38;
	[tilespmem:$0x280] =	vst v63  }
0xec: {  	_ =	swait.ge [sflag:s26], $0x80  }
0xed: {  	[sflag:s26] =	ssyncset.done $0x0  }
0xee: {  	s31 =	simm.s32 $0x1;
	[sflag:s26] =	ssyncadd.s32 $0xFFFFFF80  }
0xef: {  	_ =	swait.ge [sflag:s31], $0x80  }
0xf0: {  	[sflag:s31] =	ssyncset.done $0x0  }
0xf1: {  	[sflag:s31] =	ssyncadd.s32 $0xFFFFFF80  }
.LBB2_2:
0xf2: {  	_ =	sfence.sel $0x180000  }
0xf3: {  	[bflag:$0x0] =	sbarrier.arrive $0xFFFF  }
0xf4: {  	_ =	strace $0x90000047  }
0xf5: {  	s0 =	sadd.s32 @!p0 $0x100000, s0;
	[bflag:$0x2] =	sbarrier.arrive $0xFFFF  }
0xf6: {  	[sflag:s0] =	ssyncadd.tile.s32 @!p0 $0x1;
	_ =	shalt  }
.Lfunc_end2:
_tile_overlayer_lowered:
.L_overlay_start_2:
0xf7: {  	(tag) =	ssettag $0x2  }
0xf8: {  	s0 =	rddreg [dreg:$0x0];
	s2 =	stileid.u32  }
0xf9: {  	s1 =	rddreg [dreg:$0x1];
	p0 =	sne.s32 s2, $0x0  }
0xfa: {  	s3 =	rddreg [dreg:$0x2];
	[bflag:$0x3] =	sbarrier.arrive $0xFFFF;
	s2 =	simm.s32 @!p0 $0x1C02  }
0xfb: {  	[timem:s3], [sflag:s2] =	dma.local @!p0 [hbm:s0], s1  }
0xfc: {  	s0 =	simm.s32 @!p0 $0x2  }
0xfd: {  	_ =	swait.ge @!p0 [sflag:s0], s1  }
0xfe: {  	s1 =	ssub.s32 @!p0 $0x0, s1;
	[sflag:s0] =	ssyncset.done @!p0 $0x0  }
0xff: {  	[sflag:s0] =	ssyncadd.s32 @!p0 s1  }
0x100: {  	[bflag:$0x3] =	sbarrier.arrive $0xFFFF  }
0x101: {  	_ =	shalt  }

</sc_bundles>
